<compile_context>
chip_gen: v7x
topology: tpu7x:2x2x1
jax: 0.10.2.dev20260603
libtpu: 0.0.44.dev20260713+nightly
codegen_flags: <defaults>
</compile_context>

<pallas_src>
import functools

import jax
import jax.numpy as jnp
from jax import lax
from jax.experimental import pallas as pl
from jax.experimental.pallas import tpu as pltpu
from jax.experimental.pallas import tpu_sc as plsc

N_CATS = 10
B0, B1 = 4, 8192
TOK = B0 * B1

_INFO = plsc.get_sparse_core_info()
NC = _INFO.num_cores
NS = _INFO.num_subcores
L = _INFO.num_lanes
NW = NC * NS
TPW = TOK // NW
GROUPS = TPW // L


def _sc_body(lg_hbm, tg_hbm, out_hbm, lg_v, tg_v, out_v):
    wid = lax.axis_index("s") * NC + lax.axis_index("c")
    tok0 = wid * TPW
    pltpu.sync_copy(lg_hbm.at[pl.ds(tok0 * N_CATS, TPW * N_CATS)], lg_v)
    pltpu.sync_copy(tg_hbm.at[pl.ds(tok0, TPW)], tg_v)

    lane = lax.iota(jnp.int32, L)
    lane10 = lane * N_CATS
    zf = jnp.zeros((L,), jnp.float32)

    def body(j, carry):
        accN, accB, acc1t, acc2t, acc1p, acc2p = carry
        base = j * (L * N_CATS)
        amax = plsc.load_gather(lg_v, [lane10 + base])
        aidx = jnp.zeros((L,), jnp.int32)
        for r in range(1, N_CATS):
            v = plsc.load_gather(lg_v, [lane10 + (base + r)])
            gt = v > amax
            aidx = jnp.where(gt, jnp.int32(r), aidx)
            amax = jnp.where(gt, v, amax)
        t = tg_v[pl.ds(j * L, L)]
        m = jnp.where(t > 0, 1.0, 0.0)
        tf = t.astype(jnp.float32)
        pf = aidx.astype(jnp.float32)
        d = tf - pf
        return (accN + m,
                accB + m * d * d,
                acc1t + m * tf,
                acc2t + m * tf * tf,
                acc1p + m * pf,
                acc2p + m * pf * pf)

    accN, accB, acc1t, acc2t, acc1p, acc2p = lax.fori_loop(
        0, GROUPS, body, (zf, zf, zf, zf, zf, zf))

    sums = (jnp.sum(accN), jnp.sum(accB), jnp.sum(acc1t),
            jnp.sum(acc2t), jnp.sum(acc1p), jnp.sum(acc2p))
    out16 = zf
    for k, s in enumerate(sums):
        out16 = out16 + jnp.where(lane == k, s, 0.0)
    out_v[...] = out16
    pltpu.sync_copy(out_v, out_hbm.at[wid])


_sc_partials = functools.partial(
    pl.kernel,
    mesh=plsc.VectorSubcoreMesh(core_axis_name="c", subcore_axis_name="s"),
    out_type=jax.ShapeDtypeStruct((NW, L), jnp.float32),
    scratch_types=[
        pltpu.VMEM((TPW * N_CATS,), jnp.float32),
        pltpu.VMEM((TPW,), jnp.int32),
        pltpu.VMEM((L,), jnp.float32),
    ],
    compiler_params=pltpu.CompilerParams(needs_layout_passes=False),
)(_sc_body)


def _finalize_body(p_ref, o_ref):
    x = p_ref[...]
    col = lax.broadcasted_iota(jnp.int32, (NW, L), 1)

    def s(k):
        return jnp.sum(jnp.where(col == k, x, 0.0))

    N, B, S1t, S2t, S1p, S2p = s(0), s(1), s(2), s(3), s(4), s(5)
    wsq = jnp.float32((N_CATS - 1) ** 2)
    num = N - B / wsq
    den = N * N - (N * S2t - 2.0 * S1t * S1p + N * S2p) / wsq
    qwk = jnp.where(den == 0.0, 0.0, N * num / den)
    loss = jnp.where(N == 0.0, 0.0, 1.0 - qwk)
    o_ref[...] = jnp.reshape(loss, (1, 1))


def kernel(logits, targets):
    lg = logits.reshape(-1).astype(jnp.float32)
    tg = targets.reshape(-1).astype(jnp.int32)
    partials = _sc_partials(lg, tg)
    loss2d = pl.pallas_call(
        _finalize_body,
        out_shape=jax.ShapeDtypeStruct((1, 1), jnp.float32),
    )(partials)
    return loss2d[0, 0]

# --- scband reference (transcript-rebuilt; emitter-appended) ---
"""Pipeline reference for scband-qwkloss-83348135346706 (READ-ONLY COPY).

The authoritative reference and input builder live on the scoring server;
editing this copy changes nothing except your own understanding.
"""

import jax, jax.numpy as jnp
import numpy as np

N_CATS = 10

def _qwk_weights(n_cats):
    i = jnp.arange(n_cats, dtype=jnp.float32)
    return 1.0 - (i[:, None] - i[None, :]) ** 2 / (n_cats - 1) ** 2

def setup_inputs(seed: int = 0) -> dict:
    key = jax.random.key(seed)
    k1, k2 = jax.random.split(key)
    logits = jax.random.normal(k1, (4, 8192, N_CATS), dtype=jnp.float32)
    targets = jax.random.randint(k2, (4, 8192), 0, N_CATS, dtype=jnp.int64)
    return {"logits": logits, "targets": targets}

def reference(logits, targets):
    n_cats = N_CATS
    probs = jax.nn.softmax(logits, axis=-1)
    preds = jnp.argmax(probs, axis=-1)
    preds_flat = preds.reshape(-1)
    targets_flat = targets.reshape(-1)
    mask = (targets_flat > 0).astype(jnp.float32)
    n = mask.sum()
    # confusion matrix via scatter-add, masked entries contribute 0
    cm = jnp.zeros((n_cats, n_cats), dtype=jnp.float32).at[targets_flat, preds_flat].add(mask)
    cm = cm / n
    marg_true = cm.sum(axis=1)
    marg_pred = cm.sum(axis=0)
    expected = jnp.outer(marg_true, marg_pred)
    w = _qwk_weights(n_cats)
    numerator = (w * cm).sum()
    denominator = (w * expected).sum()
    qwk = jnp.where(denominator == 0, 0.0, numerator / denominator)
    loss = jnp.where(n == 0, 0.0, 1.0 - qwk)
    return loss

if __name__ == "__main__":
    import jax
    _d = setup_inputs()
    print(jax.jit(kernel)(*tuple(_d.values())))

</pallas_src>

<mosaic_0001>
#map = affine_map<(d0, d1) -> (0)>
#map1 = affine_map<(d0, d1) -> (0, 0)>
module attributes {stable_mosaic.version = 14 : i64} {
  func.func @_sc_body(%arg0: i32, %arg1: i32, %arg2: memref<327680xf32, #tpu.memory_space<hbm>>, %arg3: memref<32768xi32, #tpu.memory_space<hbm>>, %arg4: memref<32x16xf32, #tpu.memory_space<hbm>>, %arg5: memref<10240xf32, #tpu.memory_space<vmem>>, %arg6: memref<1024xi32, #tpu.memory_space<vmem>>, %arg7: memref<16xf32, #tpu.memory_space<vmem>>) attributes {dimension_semantics = [#tpu.dimension_semantics<core_parallel>, #tpu.dimension_semantics<subcore_parallel>], iteration_bounds = array<i64: 2, 16>, scalar_prefetch = 0 : i64, scratch_operands = 3 : i64, tpu.core_type = #tpu.core_type<sc_vector_subcore>, window_params = [{transform_indices = #map}, {transform_indices = #map}, {transform_indices = #map1}]} {
    %mul3A = arith.constant 2 : i32
    %mul3A_0 = arith.muli %arg1, %mul3A : i32
    %add3A = arith.addi %mul3A_0, %arg0 : i32
    %mul3A_1 = arith.constant 1024 : i32
    %mul3A_2 = arith.muli %add3A, %mul3A_1 : i32
    %mul3A_3 = arith.constant 10 : i32
    %mul3A_4 = arith.muli %mul3A_2, %mul3A_3 : i32
    "tpu.region"() ({
      %run_scoped3A = tpu.sem_alloc : memref<!tpu.dma_semaphore, #tpu.memory_space<semaphore_mem>>
      %dma_start3A = tpu.memref_slice %arg2[%mul3A_4] : memref<327680xf32, #tpu.memory_space<hbm>> -> memref<10240xf32, #tpu.memory_space<hbm>>
      %dma_start3A_83 = tpu.memref_slice %arg2[%mul3A_4] : memref<327680xf32, #tpu.memory_space<hbm>> -> memref<10240xf32, #tpu.memory_space<hbm>>
      tpu.enqueue_dma source(%dma_start3A_83 : memref<10240xf32, #tpu.memory_space<hbm>>) target(%arg5 : memref<10240xf32, #tpu.memory_space<vmem>>) target_semaphore(%run_scoped3A : memref<!tpu.dma_semaphore, #tpu.memory_space<semaphore_mem>>)
      %dma_wait3A = tpu.memref_slice %arg2[%mul3A_4] : memref<327680xf32, #tpu.memory_space<hbm>> -> memref<10240xf32, #tpu.memory_space<hbm>>
      %dma_wait3A_84 = tpu.memref_slice %arg2[%mul3A_4] : memref<327680xf32, #tpu.memory_space<hbm>> -> memref<10240xf32, #tpu.memory_space<hbm>>
      tpu.wait_dma2 semaphore(%run_scoped3A : memref<!tpu.dma_semaphore, #tpu.memory_space<semaphore_mem>>) src(%dma_wait3A_84 : memref<10240xf32, #tpu.memory_space<hbm>>) dst(%arg5 : memref<10240xf32, #tpu.memory_space<vmem>>)
      tpu.yield
    }) : () -> ()
    "tpu.region"() ({
      %run_scoped3A = tpu.sem_alloc : memref<!tpu.dma_semaphore, #tpu.memory_space<semaphore_mem>>
      %dma_start3A = tpu.memref_slice %arg3[%mul3A_2] : memref<32768xi32, #tpu.memory_space<hbm>> -> memref<1024xi32, #tpu.memory_space<hbm>>
      %dma_start3A_83 = tpu.memref_slice %arg3[%mul3A_2] : memref<32768xi32, #tpu.memory_space<hbm>> -> memref<1024xi32, #tpu.memory_space<hbm>>
      tpu.enqueue_dma source(%dma_start3A_83 : memref<1024xi32, #tpu.memory_space<hbm>>) target(%arg6 : memref<1024xi32, #tpu.memory_space<vmem>>) target_semaphore(%run_scoped3A : memref<!tpu.dma_semaphore, #tpu.memory_space<semaphore_mem>>)
      %dma_wait3A = tpu.memref_slice %arg3[%mul3A_2] : memref<32768xi32, #tpu.memory_space<hbm>> -> memref<1024xi32, #tpu.memory_space<hbm>>
      %dma_wait3A_84 = tpu.memref_slice %arg3[%mul3A_2] : memref<32768xi32, #tpu.memory_space<hbm>> -> memref<1024xi32, #tpu.memory_space<hbm>>
      tpu.wait_dma2 semaphore(%run_scoped3A : memref<!tpu.dma_semaphore, #tpu.memory_space<semaphore_mem>>) src(%dma_wait3A_84 : memref<1024xi32, #tpu.memory_space<hbm>>) dst(%arg6 : memref<1024xi32, #tpu.memory_space<vmem>>)
      tpu.yield
    }) : () -> ()
    %iota3A = tpu.iota {dimensions = array<i32: 0>} : vector<16xi32>
    %mul3A_5 = arith.constant 10 : i32
    %mul3A_6 = vector.broadcast %mul3A_5 : i32 to vector<16xi32>
    %mul3A_7 = arith.muli %iota3A, %mul3A_6 : vector<16xi32>
    %broadcast_in_dim3A = arith.constant 0.000000e+00 : f32
    %broadcast_in_dim3A_8 = vector.broadcast %broadcast_in_dim3A : f32 to vector<16xf32>
    %scan3A = arith.constant 0 : i32
    %scan3A_9 = arith.constant 64 : i32
    %scan3A_10 = arith.addi %scan3A, %scan3A_9 : i32
    %scan3A_11 = arith.constant 1 : i32
    %scan3A_12:6 = scf.for %scan3A_83 = %scan3A to %scan3A_10 step %scan3A_11 iter_args(%scan3A_84 = %broadcast_in_dim3A_8, %scan3A_85 = %broadcast_in_dim3A_8, %scan3A_86 = %broadcast_in_dim3A_8, %scan3A_87 = %broadcast_in_dim3A_8, %scan3A_88 = %broadcast_in_dim3A_8, %scan3A_89 = %broadcast_in_dim3A_8) -> (vector<16xf32>, vector<16xf32>, vector<16xf32>, vector<16xf32>, vector<16xf32>, vector<16xf32>)  : i32 {
      %mul3A_90 = arith.constant 160 : i32
      %mul3A_91 = arith.muli %scan3A_83, %mul3A_90 : i32
      %add3A_92 = vector.broadcast %mul3A_91 : i32 to vector<16xi32>
      %add3A_93 = arith.addi %mul3A_7, %add3A_92 : vector<16xi32>
      %gather3A = tpu.vector_load_idx %arg5[%add3A_93] : memref<10240xf32, #tpu.memory_space<vmem>>[vector<16xi32>], vector<16xf32>,
      %broadcast_in_dim3A_94 = arith.constant 0 : i32
      %broadcast_in_dim3A_95 = vector.broadcast %broadcast_in_dim3A_94 : i32 to vector<16xi32>
      %add3A_96 = arith.constant 1 : i32
      %add3A_97 = arith.addi %mul3A_91, %add3A_96 : i32
      %add3A_98 = vector.broadcast %add3A_97 : i32 to vector<16xi32>
      %add3A_99 = arith.addi %mul3A_7, %add3A_98 : vector<16xi32>
      %gather3A_100 = tpu.vector_load_idx %arg5[%add3A_99] : memref<10240xf32, #tpu.memory_space<vmem>>[vector<16xi32>], vector<16xf32>,
      %gt3A = arith.cmpf ogt, %gather3A_100, %gather3A : vector<16xf32>
      %jit3A_101 = arith.constant 1 : i32
      %broadcast_in_dim3A_102 = vector.broadcast %jit3A_101 : i32 to vector<16xi32>
      %select_n3A_103 = arith.select %gt3A, %broadcast_in_dim3A_102, %broadcast_in_dim3A_95 : vector<16xi1>, vector<16xi32>
      %select_n3A_104 = arith.select %gt3A, %gather3A_100, %gather3A : vector<16xi1>, vector<16xf32>
      %add3A_105 = arith.constant 2 : i32
      %add3A_106 = arith.addi %mul3A_91, %add3A_105 : i32
      %add3A_107 = vector.broadcast %add3A_106 : i32 to vector<16xi32>
      %add3A_108 = arith.addi %mul3A_7, %add3A_107 : vector<16xi32>
      %gather3A_109 = tpu.vector_load_idx %arg5[%add3A_108] : memref<10240xf32, #tpu.memory_space<vmem>>[vector<16xi32>], vector<16xf32>,
      %gt3A_110 = arith.cmpf ogt, %gather3A_109, %select_n3A_104 : vector<16xf32>
      %jit3A_111 = arith.constant 2 : i32
      %broadcast_in_dim3A_112 = vector.broadcast %jit3A_111 : i32 to vector<16xi32>
      %select_n3A_113 = arith.select %gt3A_110, %broadcast_in_dim3A_112, %select_n3A_103 : vector<16xi1>, vector<16xi32>
      %select_n3A_114 = arith.select %gt3A_110, %gather3A_109, %select_n3A_104 : vector<16xi1>, vector<16xf32>
      %add3A_115 = arith.constant 3 : i32
      %add3A_116 = arith.addi %mul3A_91, %add3A_115 : i32
      %add3A_117 = vector.broadcast %add3A_116 : i32 to vector<16xi32>
      %add3A_118 = arith.addi %mul3A_7, %add3A_117 : vector<16xi32>
      %gather3A_119 = tpu.vector_load_idx %arg5[%add3A_118] : memref<10240xf32, #tpu.memory_space<vmem>>[vector<16xi32>], vector<16xf32>,
      %gt3A_120 = arith.cmpf ogt, %gather3A_119, %select_n3A_114 : vector<16xf32>
      %jit3A_121 = arith.constant 3 : i32
      %broadcast_in_dim3A_122 = vector.broadcast %jit3A_121 : i32 to vector<16xi32>
      %select_n3A_123 = arith.select %gt3A_120, %broadcast_in_dim3A_122, %select_n3A_113 : vector<16xi1>, vector<16xi32>
      %select_n3A_124 = arith.select %gt3A_120, %gather3A_119, %select_n3A_114 : vector<16xi1>, vector<16xf32>
      %add3A_125 = arith.constant 4 : i32
      %add3A_126 = arith.addi %mul3A_91, %add3A_125 : i32
      %add3A_127 = vector.broadcast %add3A_126 : i32 to vector<16xi32>
      %add3A_128 = arith.addi %mul3A_7, %add3A_127 : vector<16xi32>
      %gather3A_129 = tpu.vector_load_idx %arg5[%add3A_128] : memref<10240xf32, #tpu.memory_space<vmem>>[vector<16xi32>], vector<16xf32>,
      %gt3A_130 = arith.cmpf ogt, %gather3A_129, %select_n3A_124 : vector<16xf32>
      %jit3A_131 = arith.constant 4 : i32
      %broadcast_in_dim3A_132 = vector.broadcast %jit3A_131 : i32 to vector<16xi32>
      %select_n3A_133 = arith.select %gt3A_130, %broadcast_in_dim3A_132, %select_n3A_123 : vector<16xi1>, vector<16xi32>
      %select_n3A_134 = arith.select %gt3A_130, %gather3A_129, %select_n3A_124 : vector<16xi1>, vector<16xf32>
      %add3A_135 = arith.constant 5 : i32
      %add3A_136 = arith.addi %mul3A_91, %add3A_135 : i32
      %add3A_137 = vector.broadcast %add3A_136 : i32 to vector<16xi32>
      %add3A_138 = arith.addi %mul3A_7, %add3A_137 : vector<16xi32>
      %gather3A_139 = tpu.vector_load_idx %arg5[%add3A_138] : memref<10240xf32, #tpu.memory_space<vmem>>[vector<16xi32>], vector<16xf32>,
      %gt3A_140 = arith.cmpf ogt, %gather3A_139, %select_n3A_134 : vector<16xf32>
      %jit3A_141 = arith.constant 5 : i32
      %broadcast_in_dim3A_142 = vector.broadcast %jit3A_141 : i32 to vector<16xi32>
      %select_n3A_143 = arith.select %gt3A_140, %broadcast_in_dim3A_142, %select_n3A_133 : vector<16xi1>, vector<16xi32>
      %select_n3A_144 = arith.select %gt3A_140, %gather3A_139, %select_n3A_134 : vector<16xi1>, vector<16xf32>
      %add3A_145 = arith.constant 6 : i32
      %add3A_146 = arith.addi %mul3A_91, %add3A_145 : i32
      %add3A_147 = vector.broadcast %add3A_146 : i32 to vector<16xi32>
      %add3A_148 = arith.addi %mul3A_7, %add3A_147 : vector<16xi32>
      %gather3A_149 = tpu.vector_load_idx %arg5[%add3A_148] : memref<10240xf32, #tpu.memory_space<vmem>>[vector<16xi32>], vector<16xf32>,
      %gt3A_150 = arith.cmpf ogt, %gather3A_149, %select_n3A_144 : vector<16xf32>
      %jit3A_151 = arith.constant 6 : i32
      %broadcast_in_dim3A_152 = vector.broadcast %jit3A_151 : i32 to vector<16xi32>
      %select_n3A_153 = arith.select %gt3A_150, %broadcast_in_dim3A_152, %select_n3A_143 : vector<16xi1>, vector<16xi32>
      %select_n3A_154 = arith.select %gt3A_150, %gather3A_149, %select_n3A_144 : vector<16xi1>, vector<16xf32>
      %add3A_155 = arith.constant 7 : i32
      %add3A_156 = arith.addi %mul3A_91, %add3A_155 : i32
      %add3A_157 = vector.broadcast %add3A_156 : i32 to vector<16xi32>
      %add3A_158 = arith.addi %mul3A_7, %add3A_157 : vector<16xi32>
      %gather3A_159 = tpu.vector_load_idx %arg5[%add3A_158] : memref<10240xf32, #tpu.memory_space<vmem>>[vector<16xi32>], vector<16xf32>,
      %gt3A_160 = arith.cmpf ogt, %gather3A_159, %select_n3A_154 : vector<16xf32>
      %jit3A_161 = arith.constant 7 : i32
      %broadcast_in_dim3A_162 = vector.broadcast %jit3A_161 : i32 to vector<16xi32>
      %select_n3A_163 = arith.select %gt3A_160, %broadcast_in_dim3A_162, %select_n3A_153 : vector<16xi1>, vector<16xi32>
      %select_n3A_164 = arith.select %gt3A_160, %gather3A_159, %select_n3A_154 : vector<16xi1>, vector<16xf32>
      %add3A_165 = arith.constant 8 : i32
      %add3A_166 = arith.addi %mul3A_91, %add3A_165 : i32
      %add3A_167 = vector.broadcast %add3A_166 : i32 to vector<16xi32>
      %add3A_168 = arith.addi %mul3A_7, %add3A_167 : vector<16xi32>
      %gather3A_169 = tpu.vector_load_idx %arg5[%add3A_168] : memref<10240xf32, #tpu.memory_space<vmem>>[vector<16xi32>], vector<16xf32>,
      %gt3A_170 = arith.cmpf ogt, %gather3A_169, %select_n3A_164 : vector<16xf32>
      %jit3A_171 = arith.constant 8 : i32
      %broadcast_in_dim3A_172 = vector.broadcast %jit3A_171 : i32 to vector<16xi32>
      %select_n3A_173 = arith.select %gt3A_170, %broadcast_in_dim3A_172, %select_n3A_163 : vector<16xi1>, vector<16xi32>
      %select_n3A_174 = arith.select %gt3A_170, %gather3A_169, %select_n3A_164 : vector<16xi1>, vector<16xf32>
      %add3A_175 = arith.constant 9 : i32
      %add3A_176 = arith.addi %mul3A_91, %add3A_175 : i32
      %add3A_177 = vector.broadcast %add3A_176 : i32 to vector<16xi32>
      %add3A_178 = arith.addi %mul3A_7, %add3A_177 : vector<16xi32>
      %gather3A_179 = tpu.vector_load_idx %arg5[%add3A_178] : memref<10240xf32, #tpu.memory_space<vmem>>[vector<16xi32>], vector<16xf32>,
      %gt3A_180 = arith.cmpf ogt, %gather3A_179, %select_n3A_174 : vector<16xf32>
      %jit3A_181 = arith.constant 9 : i32
      %broadcast_in_dim3A_182 = vector.broadcast %jit3A_181 : i32 to vector<16xi32>
      %select_n3A_183 = arith.select %gt3A_180, %broadcast_in_dim3A_182, %select_n3A_173 : vector<16xi1>, vector<16xi32>
      %select_n3A_184 = arith.select %gt3A_180, %gather3A_179, %select_n3A_174 : vector<16xi1>, vector<16xf32>
      %mul3A_185 = arith.constant 16 : i32
      %mul3A_186 = arith.muli %scan3A_83, %mul3A_185 : i32
      %get3A = arith.index_cast %mul3A_186 : i32 to index
      %get3A_187 = tpu.vector_load %arg6[%get3A] {strides = array<i32>} : memref<1024xi32, #tpu.memory_space<vmem>>, vector<16xi32>,
      %gt3A_188 = arith.constant 0 : i32
      %gt3A_189 = vector.broadcast %gt3A_188 : i32 to vector<16xi32>
      %gt3A_190 = arith.cmpi sgt, %get3A_187, %gt3A_189 : vector<16xi32>
      %jit3A_191 = arith.constant 1.000000e+00 : f32
      %jit3A_192 = arith.constant 0.000000e+00 : f32
      %broadcast_in_dim3A_193 = vector.broadcast %jit3A_191 : f32 to vector<16xf32>
      %broadcast_in_dim3A_194 = vector.broadcast %jit3A_192 : f32 to vector<16xf32>
      %select_n3A_195 = arith.select %gt3A_190, %broadcast_in_dim3A_193, %broadcast_in_dim3A_194 : vector<16xi1>, vector<16xf32>
      %convert_element_type3A = arith.sitofp %get3A_187 : vector<16xi32> to vector<16xf32>
      %convert_element_type3A_196 = arith.sitofp %select_n3A_183 : vector<16xi32> to vector<16xf32>
      %sub3A = arith.subf %convert_element_type3A, %convert_element_type3A_196 : vector<16xf32>
      %add3A_197 = arith.addf %scan3A_84, %select_n3A_195 : vector<16xf32>
      %mul3A_198 = arith.mulf %select_n3A_195, %sub3A : vector<16xf32>
      %mul3A_199 = arith.mulf %mul3A_198, %sub3A : vector<16xf32>
      %add3A_200 = arith.addf %scan3A_85, %mul3A_199 : vector<16xf32>
      %mul3A_201 = arith.mulf %select_n3A_195, %convert_element_type3A : vector<16xf32>
      %add3A_202 = arith.addf %scan3A_86, %mul3A_201 : vector<16xf32>
      %mul3A_203 = arith.mulf %select_n3A_195, %convert_element_type3A : vector<16xf32>
      %mul3A_204 = arith.mulf %mul3A_203, %convert_element_type3A : vector<16xf32>
      %add3A_205 = arith.addf %scan3A_87, %mul3A_204 : vector<16xf32>
      %mul3A_206 = arith.mulf %select_n3A_195, %convert_element_type3A_196 : vector<16xf32>
      %add3A_207 = arith.addf %scan3A_88, %mul3A_206 : vector<16xf32>
      %mul3A_208 = arith.mulf %select_n3A_195, %convert_element_type3A_196 : vector<16xf32>
      %mul3A_209 = arith.mulf %mul3A_208, %convert_element_type3A_196 : vector<16xf32>
      %add3A_210 = arith.addf %scan3A_89, %mul3A_209 : vector<16xf32>
      scf.yield %add3A_197, %add3A_200, %add3A_202, %add3A_205, %add3A_207, %add3A_210 : vector<16xf32>, vector<16xf32>, vector<16xf32>, vector<16xf32>, vector<16xf32>, vector<16xf32>
    }
    %scan3A_13 = arith.constant 64 : i32
    %reduce_sum3A = arith.constant true
    %reduce_sum3A_14 = vector.broadcast %reduce_sum3A : i1 to vector<16xi1>
    %reduce_sum3A_15 = tpu.scan <sum>, %scan3A_12#0 masked %reduce_sum3A_14 : vector<16xf32>, vector<16xi1> -> vector<16xf32>
    %reduce_sum3A_16 = vector.extract %reduce_sum3A_15[15] : f32 from vector<16xf32>
    %reduce_sum3A_17 = arith.constant true
    %reduce_sum3A_18 = vector.broadcast %reduce_sum3A_17 : i1 to vector<16xi1>
    %reduce_sum3A_19 = tpu.scan <sum>, %scan3A_12#1 masked %reduce_sum3A_18 : vector<16xf32>, vector<16xi1> -> vector<16xf32>
    %reduce_sum3A_20 = vector.extract %reduce_sum3A_19[15] : f32 from vector<16xf32>
    %reduce_sum3A_21 = arith.constant true
    %reduce_sum3A_22 = vector.broadcast %reduce_sum3A_21 : i1 to vector<16xi1>
    %reduce_sum3A_23 = tpu.scan <sum>, %scan3A_12#2 masked %reduce_sum3A_22 : vector<16xf32>, vector<16xi1> -> vector<16xf32>
    %reduce_sum3A_24 = vector.extract %reduce_sum3A_23[15] : f32 from vector<16xf32>
    %reduce_sum3A_25 = arith.constant true
    %reduce_sum3A_26 = vector.broadcast %reduce_sum3A_25 : i1 to vector<16xi1>
    %reduce_sum3A_27 = tpu.scan <sum>, %scan3A_12#3 masked %reduce_sum3A_26 : vector<16xf32>, vector<16xi1> -> vector<16xf32>
    %reduce_sum3A_28 = vector.extract %reduce_sum3A_27[15] : f32 from vector<16xf32>
    %reduce_sum3A_29 = arith.constant true
    %reduce_sum3A_30 = vector.broadcast %reduce_sum3A_29 : i1 to vector<16xi1>
    %reduce_sum3A_31 = tpu.scan <sum>, %scan3A_12#4 masked %reduce_sum3A_30 : vector<16xf32>, vector<16xi1> -> vector<16xf32>
    %reduce_sum3A_32 = vector.extract %reduce_sum3A_31[15] : f32 from vector<16xf32>
    %reduce_sum3A_33 = arith.constant true
    %reduce_sum3A_34 = vector.broadcast %reduce_sum3A_33 : i1 to vector<16xi1>
    %reduce_sum3A_35 = tpu.scan <sum>, %scan3A_12#5 masked %reduce_sum3A_34 : vector<16xf32>, vector<16xi1> -> vector<16xf32>
    %reduce_sum3A_36 = vector.extract %reduce_sum3A_35[15] : f32 from vector<16xf32>
    %eq3A = arith.constant 0 : i32
    %eq3A_37 = vector.broadcast %eq3A : i32 to vector<16xi32>
    %eq3A_38 = arith.cmpi eq, %iota3A, %eq3A_37 : vector<16xi32>
    %jit3A = arith.constant 0.000000e+00 : f32
    %broadcast_in_dim3A_39 = vector.broadcast %reduce_sum3A_16 : f32 to vector<16xf32>
    %broadcast_in_dim3A_40 = vector.broadcast %jit3A : f32 to vector<16xf32>
    %select_n3A = arith.select %eq3A_38, %broadcast_in_dim3A_39, %broadcast_in_dim3A_40 : vector<16xi1>, vector<16xf32>
    %add3A_41 = arith.addf %broadcast_in_dim3A_8, %select_n3A : vector<16xf32>
    %eq3A_42 = arith.constant 1 : i32
    %eq3A_43 = vector.broadcast %eq3A_42 : i32 to vector<16xi32>
    %eq3A_44 = arith.cmpi eq, %iota3A, %eq3A_43 : vector<16xi32>
    %jit3A_45 = arith.constant 0.000000e+00 : f32
    %broadcast_in_dim3A_46 = vector.broadcast %reduce_sum3A_20 : f32 to vector<16xf32>
    %broadcast_in_dim3A_47 = vector.broadcast %jit3A_45 : f32 to vector<16xf32>
    %select_n3A_48 = arith.select %eq3A_44, %broadcast_in_dim3A_46, %broadcast_in_dim3A_47 : vector<16xi1>, vector<16xf32>
    %add3A_49 = arith.addf %add3A_41, %select_n3A_48 : vector<16xf32>
    %eq3A_50 = arith.constant 2 : i32
    %eq3A_51 = vector.broadcast %eq3A_50 : i32 to vector<16xi32>
    %eq3A_52 = arith.cmpi eq, %iota3A, %eq3A_51 : vector<16xi32>
    %jit3A_53 = arith.constant 0.000000e+00 : f32
    %broadcast_in_dim3A_54 = vector.broadcast %reduce_sum3A_24 : f32 to vector<16xf32>
    %broadcast_in_dim3A_55 = vector.broadcast %jit3A_53 : f32 to vector<16xf32>
    %select_n3A_56 = arith.select %eq3A_52, %broadcast_in_dim3A_54, %broadcast_in_dim3A_55 : vector<16xi1>, vector<16xf32>
    %add3A_57 = arith.addf %add3A_49, %select_n3A_56 : vector<16xf32>
    %eq3A_58 = arith.constant 3 : i32
    %eq3A_59 = vector.broadcast %eq3A_58 : i32 to vector<16xi32>
    %eq3A_60 = arith.cmpi eq, %iota3A, %eq3A_59 : vector<16xi32>
    %jit3A_61 = arith.constant 0.000000e+00 : f32
    %broadcast_in_dim3A_62 = vector.broadcast %reduce_sum3A_28 : f32 to vector<16xf32>
    %broadcast_in_dim3A_63 = vector.broadcast %jit3A_61 : f32 to vector<16xf32>
    %select_n3A_64 = arith.select %eq3A_60, %broadcast_in_dim3A_62, %broadcast_in_dim3A_63 : vector<16xi1>, vector<16xf32>
    %add3A_65 = arith.addf %add3A_57, %select_n3A_64 : vector<16xf32>
    %eq3A_66 = arith.constant 4 : i32
    %eq3A_67 = vector.broadcast %eq3A_66 : i32 to vector<16xi32>
    %eq3A_68 = arith.cmpi eq, %iota3A, %eq3A_67 : vector<16xi32>
    %jit3A_69 = arith.constant 0.000000e+00 : f32
    %broadcast_in_dim3A_70 = vector.broadcast %reduce_sum3A_32 : f32 to vector<16xf32>
    %broadcast_in_dim3A_71 = vector.broadcast %jit3A_69 : f32 to vector<16xf32>
    %select_n3A_72 = arith.select %eq3A_68, %broadcast_in_dim3A_70, %broadcast_in_dim3A_71 : vector<16xi1>, vector<16xf32>
    %add3A_73 = arith.addf %add3A_65, %select_n3A_72 : vector<16xf32>
    %eq3A_74 = arith.constant 5 : i32
    %eq3A_75 = vector.broadcast %eq3A_74 : i32 to vector<16xi32>
    %eq3A_76 = arith.cmpi eq, %iota3A, %eq3A_75 : vector<16xi32>
    %jit3A_77 = arith.constant 0.000000e+00 : f32
    %broadcast_in_dim3A_78 = vector.broadcast %reduce_sum3A_36 : f32 to vector<16xf32>
    %broadcast_in_dim3A_79 = vector.broadcast %jit3A_77 : f32 to vector<16xf32>
    %select_n3A_80 = arith.select %eq3A_76, %broadcast_in_dim3A_78, %broadcast_in_dim3A_79 : vector<16xi1>, vector<16xf32>
    %add3A_81 = arith.addf %add3A_73, %select_n3A_80 : vector<16xf32>
    %swap3A = arith.constant 0 : index
    %swap3A_82 = tpu.vector_load %arg7[%swap3A] {strides = array<i32>} : memref<16xf32, #tpu.memory_space<vmem>>, vector<16xf32>,
    tpu.vector_store %arg7[%swap3A], %add3A_81 {strides = array<i32>} : memref<16xf32, #tpu.memory_space<vmem>>, vector<16xf32>,
    "tpu.region"() ({
      %run_scoped3A = tpu.sem_alloc : memref<!tpu.dma_semaphore, #tpu.memory_space<semaphore_mem>>
      %dma_start3A = arith.constant 0 : i32
      %dma_start3A_83 = tpu.memref_slice %arg4[%add3A, %dma_start3A] : memref<32x16xf32, #tpu.memory_space<hbm>> -> memref<1x16xf32, #tpu.memory_space<hbm>>
      %dma_start3A_84 = tpu.memref_squeeze %dma_start3A_83 : memref<1x16xf32, #tpu.memory_space<hbm>> -> memref<16xf32, #tpu.memory_space<hbm>>
      %dma_start3A_85 = arith.constant 0 : i32
      %dma_start3A_86 = tpu.memref_slice %arg4[%add3A, %dma_start3A_85] : memref<32x16xf32, #tpu.memory_space<hbm>> -> memref<1x16xf32, #tpu.memory_space<hbm>>
      %dma_start3A_87 = tpu.memref_squeeze %dma_start3A_86 : memref<1x16xf32, #tpu.memory_space<hbm>> -> memref<16xf32, #tpu.memory_space<hbm>>
      tpu.enqueue_dma source(%arg7 : memref<16xf32, #tpu.memory_space<vmem>>) target(%dma_start3A_87 : memref<16xf32, #tpu.memory_space<hbm>>) target_semaphore(%run_scoped3A : memref<!tpu.dma_semaphore, #tpu.memory_space<semaphore_mem>>)
      %dma_wait3A = arith.constant 0 : i32
      %dma_wait3A_88 = tpu.memref_slice %arg4[%add3A, %dma_wait3A] : memref<32x16xf32, #tpu.memory_space<hbm>> -> memref<1x16xf32, #tpu.memory_space<hbm>>
      %dma_wait3A_89 = tpu.memref_squeeze %dma_wait3A_88 : memref<1x16xf32, #tpu.memory_space<hbm>> -> memref<16xf32, #tpu.memory_space<hbm>>
      %dma_wait3A_90 = arith.constant 0 : i32
      %dma_wait3A_91 = tpu.memref_slice %arg4[%add3A, %dma_wait3A_90] : memref<32x16xf32, #tpu.memory_space<hbm>> -> memref<1x16xf32, #tpu.memory_space<hbm>>
      %dma_wait3A_92 = tpu.memref_squeeze %dma_wait3A_91 : memref<1x16xf32, #tpu.memory_space<hbm>> -> memref<16xf32, #tpu.memory_space<hbm>>
      tpu.wait_dma2 semaphore(%run_scoped3A : memref<!tpu.dma_semaphore, #tpu.memory_space<semaphore_mem>>) src(%arg7 : memref<16xf32, #tpu.memory_space<vmem>>) dst(%dma_wait3A_92 : memref<16xf32, #tpu.memory_space<hbm>>)
      tpu.yield
    }) : () -> ()
    return
  }
}

module attributes {stable_mosaic.version = 14 : i64} {
  func.func @_finalize_body(%arg0: memref<32x16xf32, #tpu.memory_space<vmem>>, %arg1: memref<1x1xf32, #tpu.memory_space<vmem>>) attributes {dimension_semantics = [], scalar_prefetch = 0 : i64, scratch_operands = 0 : i64, tpu.core_type = #tpu.core_type<tc>} {
    %get3A = arith.constant 0 : index
    %get3A_0 = arith.constant 0 : index
    %get3A_1 = vector.load %arg0[%get3A, %get3A_0] : memref<32x16xf32, #tpu.memory_space<vmem>>, vector<32x16xf32>
    %iota3A = tpu.iota {dimensions = array<i32: 1>} : vector<32x16xi32>
    %eq3A = arith.constant 0 : i32
    %eq3A_2 = vector.broadcast %eq3A : i32 to vector<32x16xi32>
    %eq3A_3 = arith.cmpi eq, %iota3A, %eq3A_2 : vector<32x16xi32>
    %jit3A = arith.constant 0.000000e+00 : f32
    %broadcast_in_dim3A = vector.broadcast %jit3A : f32 to vector<32x16xf32>
    %select_n3A = arith.select %eq3A_3, %get3A_1, %broadcast_in_dim3A : vector<32x16xi1>, vector<32x16xf32>
    %reduce_sum3A = vector.shape_cast %select_n3A : vector<32x16xf32> to vector<1x32x16xf32>
    %reduce_sum3A_4 = arith.constant dense<0.000000e+00> : vector<1xf32>
    %reduce_sum3A_5 = vector.multi_reduction <add>, %reduce_sum3A, %reduce_sum3A_4 [1, 2] : vector<1x32x16xf32> to vector<1xf32>
    %reduce_sum3A_6 = vector.shape_cast %reduce_sum3A_5 : vector<1xf32> to vector<1x1x1xf32>
    %reduce_sum3A_7 = vector.extract %reduce_sum3A_6[0, 0, 0] : f32 from vector<1x1x1xf32>
    %eq3A_8 = arith.constant 1 : i32
    %eq3A_9 = vector.broadcast %eq3A_8 : i32 to vector<32x16xi32>
    %eq3A_10 = arith.cmpi eq, %iota3A, %eq3A_9 : vector<32x16xi32>
    %jit3A_11 = arith.constant 0.000000e+00 : f32
    %broadcast_in_dim3A_12 = vector.broadcast %jit3A_11 : f32 to vector<32x16xf32>
    %select_n3A_13 = arith.select %eq3A_10, %get3A_1, %broadcast_in_dim3A_12 : vector<32x16xi1>, vector<32x16xf32>
    %reduce_sum3A_14 = vector.shape_cast %select_n3A_13 : vector<32x16xf32> to vector<1x32x16xf32>
    %reduce_sum3A_15 = arith.constant dense<0.000000e+00> : vector<1xf32>
    %reduce_sum3A_16 = vector.multi_reduction <add>, %reduce_sum3A_14, %reduce_sum3A_15 [1, 2] : vector<1x32x16xf32> to vector<1xf32>
    %reduce_sum3A_17 = vector.shape_cast %reduce_sum3A_16 : vector<1xf32> to vector<1x1x1xf32>
    %reduce_sum3A_18 = vector.extract %reduce_sum3A_17[0, 0, 0] : f32 from vector<1x1x1xf32>
    %eq3A_19 = arith.constant 2 : i32
    %eq3A_20 = vector.broadcast %eq3A_19 : i32 to vector<32x16xi32>
    %eq3A_21 = arith.cmpi eq, %iota3A, %eq3A_20 : vector<32x16xi32>
    %jit3A_22 = arith.constant 0.000000e+00 : f32
    %broadcast_in_dim3A_23 = vector.broadcast %jit3A_22 : f32 to vector<32x16xf32>
    %select_n3A_24 = arith.select %eq3A_21, %get3A_1, %broadcast_in_dim3A_23 : vector<32x16xi1>, vector<32x16xf32>
    %reduce_sum3A_25 = vector.shape_cast %select_n3A_24 : vector<32x16xf32> to vector<1x32x16xf32>
    %reduce_sum3A_26 = arith.constant dense<0.000000e+00> : vector<1xf32>
    %reduce_sum3A_27 = vector.multi_reduction <add>, %reduce_sum3A_25, %reduce_sum3A_26 [1, 2] : vector<1x32x16xf32> to vector<1xf32>
    %reduce_sum3A_28 = vector.shape_cast %reduce_sum3A_27 : vector<1xf32> to vector<1x1x1xf32>
    %reduce_sum3A_29 = vector.extract %reduce_sum3A_28[0, 0, 0] : f32 from vector<1x1x1xf32>
    %eq3A_30 = arith.constant 3 : i32
    %eq3A_31 = vector.broadcast %eq3A_30 : i32 to vector<32x16xi32>
    %eq3A_32 = arith.cmpi eq, %iota3A, %eq3A_31 : vector<32x16xi32>
    %jit3A_33 = arith.constant 0.000000e+00 : f32
    %broadcast_in_dim3A_34 = vector.broadcast %jit3A_33 : f32 to vector<32x16xf32>
    %select_n3A_35 = arith.select %eq3A_32, %get3A_1, %broadcast_in_dim3A_34 : vector<32x16xi1>, vector<32x16xf32>
    %reduce_sum3A_36 = vector.shape_cast %select_n3A_35 : vector<32x16xf32> to vector<1x32x16xf32>
    %reduce_sum3A_37 = arith.constant dense<0.000000e+00> : vector<1xf32>
    %reduce_sum3A_38 = vector.multi_reduction <add>, %reduce_sum3A_36, %reduce_sum3A_37 [1, 2] : vector<1x32x16xf32> to vector<1xf32>
    %reduce_sum3A_39 = vector.shape_cast %reduce_sum3A_38 : vector<1xf32> to vector<1x1x1xf32>
    %reduce_sum3A_40 = vector.extract %reduce_sum3A_39[0, 0, 0] : f32 from vector<1x1x1xf32>
    %eq3A_41 = arith.constant 4 : i32
    %eq3A_42 = vector.broadcast %eq3A_41 : i32 to vector<32x16xi32>
    %eq3A_43 = arith.cmpi eq, %iota3A, %eq3A_42 : vector<32x16xi32>
    %jit3A_44 = arith.constant 0.000000e+00 : f32
    %broadcast_in_dim3A_45 = vector.broadcast %jit3A_44 : f32 to vector<32x16xf32>
    %select_n3A_46 = arith.select %eq3A_43, %get3A_1, %broadcast_in_dim3A_45 : vector<32x16xi1>, vector<32x16xf32>
    %reduce_sum3A_47 = vector.shape_cast %select_n3A_46 : vector<32x16xf32> to vector<1x32x16xf32>
    %reduce_sum3A_48 = arith.constant dense<0.000000e+00> : vector<1xf32>
    %reduce_sum3A_49 = vector.multi_reduction <add>, %reduce_sum3A_47, %reduce_sum3A_48 [1, 2] : vector<1x32x16xf32> to vector<1xf32>
    %reduce_sum3A_50 = vector.shape_cast %reduce_sum3A_49 : vector<1xf32> to vector<1x1x1xf32>
    %reduce_sum3A_51 = vector.extract %reduce_sum3A_50[0, 0, 0] : f32 from vector<1x1x1xf32>
    %eq3A_52 = arith.constant 5 : i32
    %eq3A_53 = vector.broadcast %eq3A_52 : i32 to vector<32x16xi32>
    %eq3A_54 = arith.cmpi eq, %iota3A, %eq3A_53 : vector<32x16xi32>
    %jit3A_55 = arith.constant 0.000000e+00 : f32
    %broadcast_in_dim3A_56 = vector.broadcast %jit3A_55 : f32 to vector<32x16xf32>
    %select_n3A_57 = arith.select %eq3A_54, %get3A_1, %broadcast_in_dim3A_56 : vector<32x16xi1>, vector<32x16xf32>
    %reduce_sum3A_58 = vector.shape_cast %select_n3A_57 : vector<32x16xf32> to vector<1x32x16xf32>
    %reduce_sum3A_59 = arith.constant dense<0.000000e+00> : vector<1xf32>
    %reduce_sum3A_60 = vector.multi_reduction <add>, %reduce_sum3A_58, %reduce_sum3A_59 [1, 2] : vector<1x32x16xf32> to vector<1xf32>
    %reduce_sum3A_61 = vector.shape_cast %reduce_sum3A_60 : vector<1xf32> to vector<1x1x1xf32>
    %reduce_sum3A_62 = vector.extract %reduce_sum3A_61[0, 0, 0] : f32 from vector<1x1x1xf32>
    %div3A = arith.constant 8.100000e+01 : f32
    %div3A_63 = arith.divf %reduce_sum3A_18, %div3A : f32
    %sub3A = arith.subf %reduce_sum3A_7, %div3A_63 : f32
    %mul3A = arith.mulf %reduce_sum3A_7, %reduce_sum3A_7 : f32
    %mul3A_64 = arith.mulf %reduce_sum3A_7, %reduce_sum3A_40 : f32
    %mul3A_65 = arith.constant 2.000000e+00 : f32
    %mul3A_66 = arith.mulf %mul3A_65, %reduce_sum3A_29 : f32
    %mul3A_67 = arith.mulf %mul3A_66, %reduce_sum3A_51 : f32
    %sub3A_68 = arith.subf %mul3A_64, %mul3A_67 : f32
    %mul3A_69 = arith.mulf %reduce_sum3A_7, %reduce_sum3A_62 : f32
    %add3A = arith.addf %sub3A_68, %mul3A_69 : f32
    %div3A_70 = arith.constant 8.100000e+01 : f32
    %div3A_71 = arith.divf %add3A, %div3A_70 : f32
    %sub3A_72 = arith.subf %mul3A, %div3A_71 : f32
    %eq3A_73 = arith.constant 0.000000e+00 : f32
    %eq3A_74 = arith.cmpf oeq, %sub3A_72, %eq3A_73 : f32
    %mul3A_75 = arith.mulf %reduce_sum3A_7, %sub3A : f32
    %div3A_76 = arith.divf %mul3A_75, %sub3A_72 : f32
    %jit3A_77 = arith.constant 0.000000e+00 : f32
    %select_n3A_78 = arith.select %eq3A_74, %jit3A_77, %div3A_76 : f32
    %eq3A_79 = arith.constant 0.000000e+00 : f32
    %eq3A_80 = arith.cmpf oeq, %reduce_sum3A_7, %eq3A_79 : f32
    %sub3A_81 = arith.constant 1.000000e+00 : f32
    %sub3A_82 = arith.subf %sub3A_81, %select_n3A_78 : f32
    %jit3A_83 = arith.constant 0.000000e+00 : f32
    %select_n3A_84 = arith.select %eq3A_80, %jit3A_83, %sub3A_82 : f32
    %reshape3A = vector.broadcast %select_n3A_84 : f32 to vector<1x1xf32>
    %swap3A = arith.constant 0 : index
    %swap3A_85 = arith.constant 0 : index
    %swap3A_86 = vector.load %arg1[%swap3A, %swap3A_85] : memref<1x1xf32, #tpu.memory_space<vmem>>, vector<1x1xf32>
    tpu.vector_store %arg1[%swap3A, %swap3A_85], %reshape3A {strides = array<i32>} : memref<1x1xf32, #tpu.memory_space<vmem>>, vector<1x1xf32>,
    return
  }
}

</mosaic_0001>

<sc_bundles>
// kernel: kernel.4.cloned.1.call-start
scs
__scs_entry_jumppad:
0x0: {  	(pc) =	sbr.rel $0x88, $3  }
0x1: {  	(tag) =	ssettag $0x0;
	lr =	simm.s32 $0x1  }
0x2: {  	[smem:$0x3F9F] =	sst lr;
	_ =	strace $0xD0000000  }
0x3: {  	_ = 	snop  }
0x4: {  	_ = 	snop  }
0x5: {  	_ = 	snop  }
0x6: {  	_ = 	snop  }
0x7: {  	_ = 	snop  }
__scs_overlays_trampoline_lowered:
0x8: {  	[smem:$0x3FAE] =	sst s0  }
0x9: {  	[smem:$0x3FAF] =	sst s1  }
0xa: {  	[smem:$0x3FB0] =	sst s2  }
0xb: {  	[smem:$0x3FB1] =	sst s3  }
0xc: {  	[smem:$0x3FB2] =	sst s4  }
0xd: {  	[smem:$0x3FB3] =	sst s5  }
0xe: {  	[smem:$0x3FB4] =	sst s6  }
0xf: {  	[smem:$0x3FB5] =	sst s7  }
0x10: {  	[smem:$0x3FB6] =	sst s8  }
0x11: {  	[smem:$0x3FB7] =	sst s9;
	s0 =	simm.s32 @!p0 $0x0  }
0x12: {  	s1 =	sld [smem:$0x3F9D];
	s0 =	simm.s32 @p0 $0x1  }
0x13: {  	[smem:$0x3FB8] =	sst s0;
	s0 =	simm.s32 @!p1 $0x0  }
0x14: {  	s2 =	sld [smem:$0x3F9C];
	s0 =	simm.s32 @p1 $0x1  }
0x15: {  	[smem:$0x3FB9] =	sst s0;
	s0 =	simm.s32 @!p2 $0x0  }
0x16: {  	s3 =	sld [smem:$0x3FDB];
	s0 =	simm.s32 @p2 $0x1  }
0x17: {  	s4 =	simm.s32 $0x1BF5;
	[smem:$0x3FBB] =	sst s0  }
0x18: {  	s0 =	sld [smem:$0x3F9E];
	_ =	swait.ge [sflag:s4], $0x0  }
0x19: {  	s7 =	sld [smem:$0x3F9F]  }
0x1a: {  	s8 =	sadd.s32 $0xFFFFE003, lr  }
0x1b: {  	s9 =	sadd.s32 $0xFFFFFEF7, lr;
	s5 =	simm.s32 $0xFFFFFFFF;
	p2 =	slt.u32 s8, $0xFFFFF086  }
0x1c: {  	p1 =	slt.u32 s9, $0xF7A;
	s5 =	simm.s32 @!p2 $0x0  }
0x1d: {  	s5 =	simm.s32 @p1 $0x1;
	p0 =	seq.s32 s7, s2  }
0x1e: {  	s7 =	smul.u32 @!p0 $0xF7A, s2;
	p2 =	seq.s32 @!p0 s5, $0x0  }
0x1f: {  	s9 =	smul.u32 $0xF7A, s1;
	s8 =	simm.s32 @!p0 $0x1BF5;
	p2 =	por !p2, p0  }
0x20: {  	[sflag:s8] =	ssyncset.s32 @!p0 $0xFFFFF086;
	s6 =	sadd.s32 @!p0 s3, s7;
	s7 =	simm.s32 @!p0 $0x108  }
0x21: {  	s3 =	sadd.s32 s3, s9;
	s6 =	sadd.s32 @!p0 $0x88, s6;
	s7 =	simm.s32 @p2 $0x1082  }
0x22: {  	[simem:s7], [sflag:s8] =	dma.local @!p0 [hbm:s6], $0xF7A  }
0x23: {  	s9 =	sor.u32 $0xD0000000, s2;
	s6 =	simm.s32 $0x108;
	_ =	swait.ge @!p0 [sflag:s8], $0x0  }
0x24: {  	s3 =	sadd.s32 $0x88, s3;
	s6 =	simm.s32 @!p1 $0x1082;
	[sflag:s4] =	ssyncset.s32 $0xFFFFF086  }
0x25: {  	[simem:s6], [sflag:s4] =	dma.local [hbm:s3], $0xF7A  }
0x26: {  	[smem:$0x3F9F] =	sst s1;
	(tag) =	ssettag s2;
	_ =	strace s9  }
0x27: {  	s1 =	sld [smem:$0x3FAF]  }
0x28: {  	s2 =	sld [smem:$0x3FB0]  }
0x29: {  	s4 =	sld [smem:$0x3FB2]  }
0x2a: {  	p0 =	seq.s32 s5, $0x0;
	s5 =	sld [smem:$0x3FB3]  }
0x2b: {  	s6 =	sld [smem:$0x3FB4]  }
0x2c: {  	s7 =	sld [smem:$0x3FB5]  }
0x2d: {  	s3 =	simm.s32 $0x108;
	s8 =	sld [smem:$0x3FB6]  }
0x2e: {  	s3 =	simm.s32 @!p0 $0x1082;
	s9 =	sld [smem:$0x3FB7]  }
0x2f: {  	lr =	sadd.s32 s0, s3;
	s0 =	sld [smem:$0x3FAE]  }
0x30: {  	s3 =	sld [smem:$0x3FB1]  }
0x31: {  	[smem:$0x3FBA] =	sst s10  }
0x32: {  	s10 =	sld [smem:$0x3FB8];
	_ =	sdelay $0x3  }
0x33: {  	p0 =	seq.s32 s10, $0x1;
	s10 =	sld [smem:$0x3FBA];
	_ =	sdelay $0x3  }
0x34: {  	[smem:$0x3FBA] =	sst s10  }
0x35: {  	s10 =	sld [smem:$0x3FB9];
	_ =	sdelay $0x3  }
0x36: {  	p1 =	seq.s32 s10, $0x1;
	s10 =	sld [smem:$0x3FBA];
	_ =	sdelay $0x3  }
0x37: {  	[smem:$0x3FBA] =	sst s10  }
0x38: {  	s10 =	sld [smem:$0x3FBB]  }
0x39: {  	_ = 	snop;
	(pc) =	sbr.ind lr, $3  }
0x3a: {  	_ = 	snop  }
0x3b: {  	_ = 	snop  }
0x3c: {  	p2 =	seq.s32 s10, $0x1;
	s10 =	sld [smem:$0x3FBA]  }
0x3d: {  	_ =	shalt  }
0x3e: {  	_ =	shalt  }
0x3f: {  	_ =	shalt  }
0x40: {  	_ =	shalt  }
0x41: {  	_ =	shalt  }
0x42: {  	_ =	shalt  }
0x43: {  	_ =	shalt  }
0x44: {  	_ =	shalt  }
0x45: {  	_ =	shalt  }
0x46: {  	_ =	shalt  }
0x47: {  	_ =	shalt  }
0x48: {  	_ =	shalt  }
0x49: {  	_ =	shalt  }
0x4a: {  	_ =	shalt  }
0x4b: {  	_ =	shalt  }
0x4c: {  	_ =	shalt  }
0x4d: {  	_ =	shalt  }
0x4e: {  	_ =	shalt  }
0x4f: {  	_ =	shalt  }
0x50: {  	_ =	shalt  }
0x51: {  	_ =	shalt  }
0x52: {  	_ =	shalt  }
0x53: {  	_ =	shalt  }
0x54: {  	_ =	shalt  }
0x55: {  	_ =	shalt  }
0x56: {  	_ =	shalt  }
0x57: {  	_ =	shalt  }
0x58: {  	_ =	shalt  }
0x59: {  	_ =	shalt  }
0x5a: {  	_ =	shalt  }
0x5b: {  	_ =	shalt  }
0x5c: {  	_ =	shalt  }
0x5d: {  	_ =	shalt  }
0x5e: {  	_ =	shalt  }
0x5f: {  	_ =	shalt  }
0x60: {  	_ =	shalt  }
0x61: {  	_ =	shalt  }
0x62: {  	_ =	shalt  }
0x63: {  	_ =	shalt  }
0x64: {  	_ =	shalt  }
0x65: {  	_ =	shalt  }
0x66: {  	_ =	shalt  }
0x67: {  	_ =	shalt  }
0x68: {  	_ =	shalt  }
0x69: {  	_ =	shalt  }
0x6a: {  	_ =	shalt  }
0x6b: {  	_ =	shalt  }
0x6c: {  	_ =	shalt  }
0x6d: {  	_ =	shalt  }
0x6e: {  	_ =	shalt  }
0x6f: {  	_ =	shalt  }
0x70: {  	_ =	shalt  }
0x71: {  	_ =	shalt  }
0x72: {  	_ =	shalt  }
0x73: {  	_ =	shalt  }
0x74: {  	_ =	shalt  }
0x75: {  	_ =	shalt  }
0x76: {  	_ =	shalt  }
0x77: {  	_ =	shalt  }
0x78: {  	_ =	shalt  }
0x79: {  	_ =	shalt  }
0x7a: {  	_ =	shalt  }
0x7b: {  	_ =	shalt  }
0x7c: {  	_ =	shalt  }
0x7d: {  	_ =	shalt  }
0x7e: {  	_ =	shalt  }
0x7f: {  	_ =	shalt  }
0x80: {  	_ =	shalt  }
0x81: {  	_ =	shalt  }
0x82: {  	_ =	shalt  }
0x83: {  	_ =	shalt  }
0x84: {  	_ =	shalt  }
0x85: {  	_ =	shalt  }
0x86: {  	_ =	shalt  }
0x87: {  	_ =	shalt  }
.Lfunc_end0:
.L_simem_size_0:
called_computation_lowered:
.L_overlay_start_0:
0x88: {  	s2 =	sld [smem:$0x3FD9]  }
0x89: {  	s3 =	sld [smem:$0x3FFE];
	_ =	sdelay $0x1  }
0x8a: {  	s1 =	srdreg.scid  }
0x8b: {  	s0 =	sand.u32 $0x1, s1  }
0x8c: {  	s16 =	sshll.u32 s0, $0xA;
	s2 =	sadd.s32 s3, s2  }
0x8d: {  	s2 =	sadd.s32 s2, s16  }
0x8e: {  	[smem:$0x3FC6] =	sst s2  }
0x8f: {  	_ = 	snop  }
0x90: {  	(tm) =	ssettm $0x1  }
0x91: {  	s17 =	sld [smem:$0x3FFB];
	_ =	sdelay $0x3  }
0x92: {  	_ =	strace s17  }
0x93: {  	s2 =	sld [smem:$0x3FFC];
	_ =	sdelay $0x3  }
0x94: {  	_ =	strace s2  }
0x95: {  	s2 =	sld [smem:$0x3FFD];
	_ =	sdelay $0x3  }
0x96: {  	_ =	strace s2  }
0x97: {  	_ =	strace $0x8FFFFFFF  }
0x98: {  	s18 =	sld [smem:$0x3FDB];
	_ =	sdelay $0x1  }
0x99: {  	s19 =	simm.s32 $_scs_section_size  }
0x9a: {  	s4 =	simm.s32 $_size__tile_overlayer_lowered;
	s5 =	simm.s32 $_tile_overlayer_lowered  }
0x9b: {  	s22 =	simm.s32 $0x1BFF;
	s21 =	sshll.u32 s5, $0x1;
	s2 =	sadd.s32 s19, s18  }
0x9c: {  	s6 =	simm.s32 $0x0;
	s20 =	sshll.u32 s4, $0x1;
	s4 =	sadd.s32 s21, s2  }
0x9d: {  	[timem:s6], [sflag:s22] =	dma.local [hbm:s4], s20  }
0x9e: {  	_ =	swait.ge [sflag:s22], s20  }
0x9f: {  	s3 =	ssub.s32 $0x0, s20;
	[sflag:s22] =	ssyncset.done $0x0  }
0xa0: {  	[sflag:s22] =	ssyncadd.s32 s3;
	_ =	sdelay $0x1  }
0xa1: {  	s23 =	simm.s32 $0x1B8B  }
0xa2: {  	_ =	swait.ge [sflag:s23], $0x1  }
0xa3: {  	[sflag:s23] =	ssyncset.done $0x0  }
0xa4: {  	s25 =	simm.s32 $0x1B8E;
	s24 =	sld [smem:$0x3FFE];
	[sflag:s23] =	ssyncadd.s32 $0xFFFFFFFF  }
0xa5: {  	s26 =	simm.s32 $execute0_lowered;
	[smem:$0x3FD2] =	sst s25  }
0xa6: {  	s4 =	sshll.u32 s26, $0x1;
	_ =	strace $0x80000046;
	[dreg:$0x1] =	wrdreg $0xFFFFFFFF  }
0xa7: {  	s28 =	simm.s32 $_size_execute0_lowered;
	s2 =	sadd.s32 s2, s4;
	[dreg:$0x0] =	wrdreg $0x0  }
0xa8: {  	s4 =	sshll.u32 s28, $0x1;
	[dreg:$0x2] =	wrdreg s2  }
0xa9: {  	[dreg:$0x3] =	wrdreg s4  }
0xaa: {  	[dreg:$0x4] =	wrdreg $0xC0  }
0xab: {  	_ =	task [dreg:s6], $0x5FFFF  }
0xac: {  	[dreg:$0x1] =	wrdreg $0xFFFFFFFF  }
0xad: {  	[dreg:$0x0] =	wrdreg $0x60  }
0xae: {  	[dreg:$0x2] =	wrdreg s24  }
0xaf: {  	[dreg:$0x3] =	wrdreg $0x9  }
0xb0: {  	_ =	task.clear_ibuf [dreg:s6], $0x4FFFF;
	_ =	strace $0x90000046  }
0xb1: {  	s29 =	simm.s32 $0x9;
	_ =	strace $0x80000048  }
0xb2: {  	_ =	swait.ge [sflag:s29], $0x1  }
0xb3: {  	[sflag:s29] =	ssyncadd.s32 $0xFFFFFFFF  }
0xb4: {  	_ =	strace $0x90000048  }
0xb5: {  	_ =	sfence  }
0xb6: {  	s30 =	sld [smem:$0x0];
	_ =	sdelay $0x2  }
0xb7: {  	s31 =	sshll.u32 s1, $0xD;
	s1 =	sshrl.u32 s1, $0x2  }
0xb8: {  	s3 =	sand.u32 $0x4000, s31;
	s1 =	sadd.s32 s1, s30  }
0xb9: {  	s0 =	sor.u32 s3, s0;
	s1 =	sshll.u32 s1, $0x11  }
0xba: {  	s0 =	sor.u32 s1, s0  }
0xbb: {  	s0 =	sadd.s32 $0x8F2B, s0  }
0xbc: {  	[sflag:s0] =	ssyncadd.remote.s32 $0x1  }
0xbd: {  	_ =	sfence.sel $0xFFFF  }
0xbe: {  	[dreg:$0x0] =	wrdreg $0xFFFFFFFF;
	(pc) =	sbr.abs _section_cstart, $3  }
0xbf: {  	[dreg:$0x1] =	wrdreg $0xFFFFFFFF  }
0xc0: {  	_ =	task.clear_ibuf [dreg:s6], $0x2FFFF;
	_ =	strace $0x9FFFFFFF  }
0xc1: {  	(tm) =	ssettm $0x7FFFFFFF  }
tec
execute0_lowered:
.L_overlay_start_1:
0x0: {  	(tag) =	ssettag $0x1  }
0x1: {  	s1 =	srdreg.scid;
	s0 =	stileid.u32  }
0x2: {  	s3 =	rddreg [dreg:$0x0];
	s2 =	simm.s32 $0x0;
	s9 =	simm.s32 $0x0  }
0x3: {  	s4 =	sand.u32 $0x1, s1;
	s5 =	sshll.u32 s0, $0x1;
	[smem:$0x7FF] =	sst s2  }
0x4: {  	s1 =	rddreg [dreg:$0x1];
	s5 =	sor.u32 s4, s5;
	_ =	strace $0x80000047  }
0x5: {  	s4 =	ssub.s32 $0x2, s4;
	s6 =	smul.u32 $0x500, s5;
	s7 =	sshll.u32 s5, $0x7  }
0x6: {  	v0 =	vlaneseq.u32;
	s5 =	sshll.u32 s5, $0x4;
	s8 =	sshrl.u32 s4, $0x1;
	s7 =	sadd.s32 s7, s3  }
0x7: {  	v1 =	vimm.f32 $0.0e+00;
	v2 =	vimm.s32 $0x0;
	vm0 =	vmmov $0x1;
	s5 =	sadd.s32 s5, s3;
	s8 =	ssub.s32 s4, s8;
	s6 =	sadd.s32 s6, s3  }
0x8: {  	vm1 =	vcmask $0x704;
	vm2 =	vcmask $0xB08;
	v0 =	vmul.u32 $0xA, v0;
	s4 =	sadd.s32 $0xA800, s7;
	s5 =	sadd.s32 $0xB800, s5;
	s7 =	simm.s32 $0x1  }
0x9: {  	vm3 =	vcmask $0xF0C;
	vm4 =	vcmask $0x1310;
	vm5 =	vcmask $0x1714;
	s3 =	sadd.s32 $0x800, s6;
	s6 =	smax.u32 s8, $0x1;
	s8 =	simm.s32 $0x2C00  }
.LBB2_1:
0xa: {  	[tilespmem:s2], [sflag:$0x1] =	stream.linear.gather [hbm4b:s3+s2], $0x2800, $0x38;
	[tilespmem:$0x2C80] =	vst v63  }
0xb: {  	_ =	swait.ge [sflag:s7], $0x2800  }
0xc: {  	s11 =	simm.s32 $0x0;
	[sflag:s7] =	ssyncset.done $0x0  }
0xd: {  	s10 =	simm.s32 $0x2800;
	s12 =	simm.s32 $0x1;
	v3 =	vadd.s32 s11, v0;
	[sflag:s7] =	ssyncadd.s32 $0xFFFFD800  }
0xe: {  	v4 =	vadd.s32 s12, v0;
	[tilespmem:s10], [sflag:$0x1] =	stream.linear.gather [hbm4b:s4+s2], $0x400, $0x38;
	[tilespmem:$0x2C80] =	vst v63  }
0xf: {  	s13 =	simm.s32 $0x2;
	_ =	swait.ge [sflag:s7], $0x400  }
0x10: {  	v5 =	vadd.s32 s13, v0;
	[sflag:s7] =	ssyncset.done $0x0  }
0x11: {  	s14 =	simm.s32 $0x3;
	[sflag:s7] =	ssyncadd.s32 $0xFFFFFC00  }
0x12: {  	v6 =	vadd.s32 s14, v0;
	v3 =	vld.idx.msk [tilespmem:v3+s2+$0x0], $0xffff  }
0x13: {  	s15 =	simm.s32 $0x4;
	v4 =	vld.idx.msk [tilespmem:v4+s2+$0x0], $0xffff  }
0x14: {  	v7 =	vadd.s32 s15, v0  }
0x15: {  	s16 =	simm.s32 $0x5;
	v5 =	vld.idx.msk [tilespmem:v5+s2+$0x0], $0xffff  }
0x16: {  	v8 =	vadd.s32 s16, v0  }
0x17: {  	s17 =	simm.s32 $0x6;
	v6 =	vld.idx.msk [tilespmem:v6+s2+$0x0], $0xffff  }
0x18: {  	v9 =	vadd.s32 s17, v0;
	vm6 =	vgt.f32 v4, v3  }
0x19: {  	s18 =	simm.s32 $0x7;
	v7 =	vld.idx.msk [tilespmem:v7+s2+$0x0], $0xffff;
	v3 =	vsel vm6, v4, v3  }
0x1a: {  	v4 =	vadd.s32 s18, v0;
	vm7 =	vgt.f32 v5, v3  }
0x1b: {  	s19 =	simm.s32 $0x8;
	v8 =	vld.idx.msk [tilespmem:v8+s2+$0x0], $0xffff;
	v3 =	vsel vm7, v5, v3  }
0x1c: {  	v5 =	vadd.s32 s19, v0;
	vm8 =	vgt.f32 v6, v3  }
0x1d: {  	s20 =	simm.s32 $0x9;
	v9 =	vld.idx.msk [tilespmem:v9+s2+$0x0], $0xffff;
	v3 =	vsel vm8, v6, v3  }
0x1e: {  	s12 =	simm.s32 $0xA0;
	v6 =	vadd.s32 s20, v0;
	vm9 =	vgt.f32 v7, v3  }
0x1f: {  	s21 =	simm.s32 $0xA1;
	v10 =	vadd.s32 s12, v0;
	v4 =	vld.idx.msk [tilespmem:v4+s2+$0x0], $0xffff;
	v3 =	vsel vm9, v7, v3  }
0x20: {  	v7 =	vadd.s32 s21, v0;
	vm10 =	vgt.f32 v8, v3  }
0x21: {  	s22 =	simm.s32 $0xA2;
	v5 =	vld.idx.msk [tilespmem:v5+s2+$0x0], $0xffff;
	v3 =	vsel vm10, v8, v3;
	v8 =	vsel vm6, $0x3F800000, v2  }
0x22: {  	v11 =	vadd.s32 s22, v0;
	v12 =	vld [tilespmem:s10+$0x0];
	vm6 =	vgt.f32 v9, v3;
	v8 =	vsel vm7, $0x40000000, v8  }
0x23: {  	s23 =	simm.s32 $0xA3;
	v6 =	vld.idx.msk [tilespmem:v6+s2+$0x0], $0xffff;
	v3 =	vsel vm6, v9, v3;
	v8 =	vsel vm8, $0x40400000, v8  }
0x24: {  	s26 =	simm.s32 $0xA6;
	v9 =	vld.idx.msk [tilespmem:v10+s2+$0x0], $0xffff;
	v10 =	vadd.s32 s23, v0;
	vm7 =	vgt.f32 v4, v3;
	v8 =	vsel vm9, $0x40800000, v8  }
0x25: {  	s29 =	simm.s32 $0xA8;
	v15 =	vadd.s32 s26, v0;
	v7 =	vld.idx.msk [tilespmem:v7+s2+$0x0], $0xffff;
	v3 =	vsel vm7, v4, v3;
	v4 =	vsel vm10, $0x40A00000, v8  }
0x26: {  	s24 =	simm.s32 $0xA4;
	v18 =	vadd.s32 s29, v0;
	vm8 =	vgt.f32 v5, v3;
	v4 =	vsel vm6, $0x40C00000, v4  }
0x27: {  	v11 =	vld.idx.msk [tilespmem:v11+s2+$0x0], $0xffff;
	v8 =	vadd.s32 s24, v0;
	v3 =	vsel vm8, v5, v3;
	v4 =	vsel vm7, $0x40E00000, v4  }
0x28: {  	s25 =	simm.s32 $0xA5;
	s30 =	simm.s32 $0xA9;
	vm6 =	vgt.f32 v6, v3;
	v3 =	vcvt.s32.f32 v12;
	v4 =	vsel vm8, $0x41000000, v4  }
0x29: {  	v14 =	vadd.s32 s30, v0;
	v5 =	vadd.s32 s25, v0;
	v6 =	vld.idx.msk [tilespmem:v10+s2+$0x0], $0xffff;
	v4 =	vsel vm6, $0x41100000, v4  }
0x2a: {  	s31 =	simm.s32 $0x140;
	vm7 =	vgt.s32 v12, $0x0;
	vm6 =	vgt.f32 v7, v9;
	v12 =	vsub.f32 v3, v4  }
0x2b: {  	s28 =	simm.s32 $0xA7;
	v20 =	vadd.s32 s31, v0;
	v7 =	vsel vm6, v7, v9;
	v9 =	vsel vm7, $0x3F800000, v1  }
0x2c: {  	v16 =	vld.idx.msk [tilespmem:v8+s2+$0x0], $0xffff;
	v8 =	vadd.s32 s28, v0;
	vm7 =	vgt.f32 v11, v7;
	v13 =	vmul.f32 v12, v9  }
0x2d: {  	v10 =	vmul.f32 v4, v9;
	v7 =	vsel vm7, v11, v7;
	v11 =	vmul.f32 v3, v9  }
0x2e: {  	v19 =	vld.idx.msk [tilespmem:v5+s2+$0x0], $0xffff;
	v5 =	vimm.f32 $0.0e+00;
	vm8 =	vgt.f32 v6, v7;
	v22 =	vmul.f32 v13, v12  }
0x2f: {  	v12 =	vmul.f32 v10, v4;
	v21 =	vsel vm8, v6, v7;
	v13 =	vmul.f32 v3, v11  }
0x30: {  	v17 =	vld.idx.msk [tilespmem:v15+s2+$0x0], $0xffff;
	v3 =	vimm.f32 $0.0e+00;
	v4 =	vimm.f32 $0.0e+00;
	v7 =	vimm.f32 $0.0e+00  }
0x31: {  	s11 =	simm.s32 $0x149;
	s13 =	simm.s32 $0x141;
	s12 =	simm.s32 $0x1E9;
	vm9 =	vgt.f32 v16, v21;
	v15 =	vld.idx.msk [tilespmem:v8+s2+$0x0], $0xffff;
	v8 =	vimm.f32 $0.0e+00;
	v6 =	vadd.f32 v22, v1  }
.LBB2_2:
0x32: {  	p0 =	sne.s32 s12, $0x2769;
	v22 =	vadd.s32 s13, v0;
	v16 =	vsel vm9, v16, v21;
	v3 =	vadd.f32 v12, v3  }
0x33: {  	s13 =	sadd.s32 $0xFFFFFFF9, s11;
	v5 =	vadd.f32 v13, v5;
	v4 =	vadd.f32 v10, v4;
	s10 =	sadd.s32 $0x10, s10;
	vm10 =	vgt.f32 v19, v16;
	v12 =	vld.idx.msk [tilespmem:v18+s2+$0x0], $0xffff  }
0x34: {  	v10 =	vadd.s32 s13, v0;
	v13 =	vsel vm10, v19, v16;
	v18 =	vld [tilespmem:s10+$0x0];
	v16 =	vsel vm6, $0x3F800000, v2  }
0x35: {  	v7 =	vadd.f32 v11, v7;
	s13 =	sadd.s32 $0xFFFFFFFA, s11;
	vm6 =	vgt.f32 v17, v13;
	v14 =	vld.idx.msk [tilespmem:v14+s2+$0x0], $0xffff;
	v16 =	vsel vm7, $0x40000000, v16  }
0x36: {  	v19 =	vadd.s32 s13, v0;
	v11 =	vld.idx.msk [tilespmem:v20+s2+$0x0], $0xffff;
	v13 =	vsel vm6, v17, v13;
	v16 =	vsel vm8, $0x40400000, v16  }
0x37: {  	v8 =	vadd.f32 v9, v8;
	s13 =	sadd.s32 $0xFFFFFFFB, s11;
	v17 =	vld.idx.msk [tilespmem:v22+s2+$0x0], $0xffff;
	vm7 =	vgt.f32 v15, v13;
	v16 =	vsel vm9, $0x40800000, v16  }
0x38: {  	v9 =	vadd.s32 s13, v0;
	v13 =	vsel vm7, v15, v13;
	v15 =	vsel vm10, $0x40A00000, v16  }
0x39: {  	s13 =	sadd.s32 $0xFFFFFFFC, s11;
	v20 =	vld.idx.msk [tilespmem:v10+s2+$0x0], $0xffff;
	vm8 =	vgt.f32 v12, v13;
	v10 =	vsel vm6, $0x40C00000, v15  }
0x3a: {  	v15 =	vadd.s32 s13, v0;
	v12 =	vsel vm8, v12, v13;
	v10 =	vsel vm7, $0x40E00000, v10  }
0x3b: {  	s13 =	sadd.s32 $0xFFFFFFFD, s11;
	v22 =	vcvt.s32.f32 v18;
	v13 =	vld.idx.msk [tilespmem:v19+s2+$0x0], $0xffff;
	vm6 =	vgt.f32 v14, v12;
	v10 =	vsel vm8, $0x41000000, v10  }
0x3c: {  	v12 =	vadd.s32 s13, v0;
	v14 =	vsel vm6, $0x41100000, v10  }
0x3d: {  	vm7 =	vgt.s32 v18, $0x0;
	s13 =	sadd.s32 $0xFFFFFFFE, s11;
	vm6 =	vgt.f32 v17, v11;
	v16 =	vld.idx.msk [tilespmem:v9+s2+$0x0], $0xffff;
	v21 =	vsub.f32 v22, v14  }
0x3e: {  	v23 =	vadd.s32 s13, v0;
	v11 =	vsel vm6, v17, v11;
	v9 =	vsel vm7, $0x3F800000, v1  }
.Ltmp0:
0x3f: {  	s13 =	sadd.s32 $0xFFFFFFFF, s11;
	vm7 =	vgt.f32 v20, v11;
	v10 =	vmul.f32 v14, v9;
	v19 =	vld.idx.msk [tilespmem:v15+s2+$0x0], $0xffff;
	v15 =	vmul.f32 v21, v9;
	(pc) =	sbr.rel @p0 .LBB2_2-.Ltmp0, $4  }
0x40: {  	v18 =	vadd.s32 s13, v0;
	v20 =	vsel vm7, v20, v11;
	v11 =	vmul.f32 v22, v9  }
0x41: {  	vm8 =	vgt.f32 v13, v20;
	v17 =	vld.idx.msk [tilespmem:v12+s2+$0x0], $0xffff;
	v24 =	vmul.f32 v15, v21;
	v12 =	vmul.f32 v10, v14  }
0x42: {  	s13 =	sadd.s32 $0xFFFFFFF7, s12;
	v21 =	vsel vm8, v13, v20;
	v14 =	vadd.s32 s11, v0;
	v13 =	vmul.f32 v22, v11;
	s11 =	smov.u32 s12  }
0x43: {  	v20 =	vadd.s32 s13, v0;
	s12 =	sadd.s32 $0xA0, s12;
	s13 =	sadd.s32 $0xFFFFFFF8, s11;
	vm9 =	vgt.f32 v16, v21;
	v15 =	vld.idx.msk [tilespmem:v23+s2+$0x0], $0xffff;
	v6 =	vadd.f32 v24, v6  }
0x44: {  	v22 =	vadd.s32 s13, v0  }
0x45: {  	s12 =	sadd.s32 $0xFFFFFFF9, s11  }
0x46: {  	v23 =	vadd.s32 s12, v0  }
0x47: {  	s25 =	sadd.s32 $0xFFFFFFFA, s11  }
0x48: {  	v20 =	vld.idx.msk [tilespmem:v20+s2+$0x0], $0xffff;
	v24 =	vadd.s32 s25, v0  }
0x49: {  	s26 =	sadd.s32 $0xFFFFFFFB, s11;
	v22 =	vld.idx.msk [tilespmem:v22+s2+$0x0], $0xffff  }
0x4a: {  	v25 =	vadd.s32 s26, v0  }
0x4b: {  	s28 =	sadd.s32 $0xFFFFFFFC, s11;
	v23 =	vld.idx.msk [tilespmem:v23+s2+$0x0], $0xffff  }
0x4c: {  	v26 =	vadd.s32 s28, v0  }
0x4d: {  	v16 =	vsel vm9, v16, v21;
	s29 =	sadd.s32 $0xFFFFFFFD, s11;
	v55 =	vld.idx.msk [tilespmem:v24+s2+$0x0], $0xffff  }
0x4e: {  	v57 =	vsel vm6, $0x3F800000, v2;
	v18 =	vld.idx.msk [tilespmem:v18+s2+$0x0], $0xffff;
	v56 =	vadd.s32 s29, v0;
	vm10 =	vgt.f32 v22, v20  }
0x4f: {  	s30 =	sadd.s32 $0xFFFFFFFE, s11;
	s10 =	sadd.s32 $0x10, s10;
	s31 =	sadd.s32 $0xFFFFFFFF, s11;
	v62 =	vadd.s32 s11, v0;
	vm11 =	vgt.f32 v19, v16;
	v25 =	vld.idx.msk [tilespmem:v25+s2+$0x0], $0xffff;
	v20 =	vsel vm10, v22, v20  }
0x50: {  	v58 =	vadd.s32 s30, v0;
	v60 =	vld [tilespmem:s10+$0x0];
	v61 =	vadd.s32 s31, v0;
	vm6 =	vgt.f32 v23, v20  }
0x51: {  	s10 =	sadd.s32 $0x10, s10;
	v16 =	vsel vm11, v19, v16;
	v19 =	vsel vm7, $0x40000000, v57;
	v59 =	vld.idx.msk [tilespmem:v26+s2+$0x0], $0xffff;
	v20 =	vsel vm6, v23, v20  }
0x52: {  	v30 =	vld [tilespmem:s10+$0x0];
	vm12 =	vgt.f32 v17, v16;
	v19 =	vsel vm8, $0x40400000, v19;
	vm7 =	vgt.f32 v55, v20  }
0x53: {  	v16 =	vsel vm12, v17, v16;
	v19 =	vsel vm9, $0x40800000, v19;
	v24 =	vld.idx.msk [tilespmem:v56+s2+$0x0], $0xffff;
	v20 =	vsel vm7, v55, v20  }
0x54: {  	vm13 =	vgt.f32 v15, v16;
	v19 =	vsel vm11, $0x40A00000, v19;
	vm14 =	vgt.f32 v25, v20  }
0x55: {  	v15 =	vsel vm13, v15, v16;
	v63 =	vsel vm12, $0x40C00000, v19;
	v27 =	vld.idx.msk [tilespmem:v58+s2+$0x0], $0xffff;
	v20 =	vsel vm14, v25, v20  }
0x56: {  	v14 =	vld.idx.msk [tilespmem:v14+s2+$0x0], $0xffff;
	v34 =	vcvt.s32.f32 v60;
	vm15 =	vgt.f32 v18, v15;
	vm12 =	vgt.f32 v59, v20  }
0x57: {  	v29 =	vld.idx.msk [tilespmem:v61+s2+$0x0], $0xffff;
	v16 =	vsel vm13, $0x40E00000, v63;
	v28 =	vsel vm10, $0x3F800000, v2;
	v17 =	vsel vm12, v59, v20  }
0x58: {  	v36 =	vcvt.s32.f32 v30;
	v22 =	vsel vm6, $0x40000000, v28;
	vm6 =	vgt.f32 v24, v17  }
0x59: {  	v32 =	vld.idx.msk [tilespmem:v62+s2+$0x0], $0xffff;
	v15 =	vsel vm15, v18, v15;
	v33 =	vsel vm7, $0x40400000, v22;
	v31 =	vsel vm6, v24, v17  }
0x5a: {  	v16 =	vsel vm15, $0x41000000, v16;
	v17 =	vsel vm14, $0x40800000, v33;
	vm7 =	vgt.f32 v27, v31  }
0x5b: {  	vm13 =	vgt.f32 v14, v15;
	v17 =	vsel vm12, $0x40A00000, v17;
	v14 =	vsel vm7, v27, v31  }
0x5c: {  	v16 =	vsel vm13, $0x41100000, v16;
	v17 =	vsel vm6, $0x40C00000, v17;
	vm15 =	vgt.f32 v29, v14  }
0x5d: {  	v35 =	vsub.f32 v34, v16;
	v17 =	vsel vm7, $0x40E00000, v17;
	v14 =	vsel vm15, v29, v14  }
0x5e: {  	vm14 =	vgt.s32 v60, $0x0;
	v37 =	vsel vm15, $0x41000000, v17;
	vm6 =	vgt.f32 v32, v14  }
0x5f: {  	v8 =	vadd.f32 v9, v8;
	v38 =	vsel vm14, $0x3F800000, v1;
	v15 =	vsel vm6, $0x41100000, v37  }
0x60: {  	v39 =	vmul.f32 v35, v38;
	vm6 =	vgt.s32 v30, $0x0;
	v40 =	vsub.f32 v36, v15  }
0x61: {  	v20 =	vsel vm6, $0x3F800000, v1  }
0x62: {  	v8 =	vadd.f32 v38, v8;
	v17 =	vmul.f32 v39, v35;
	v41 =	vmul.f32 v40, v20  }
0x63: {  	v7 =	vadd.f32 v11, v7;
	v42 =	vmul.f32 v34, v38  }
0x64: {  	v6 =	vadd.f32 v17, v6;
	v8 =	vadd.f32 v20, v8;
	v43 =	vmul.f32 v41, v40  }
0x65: {  	v5 =	vadd.f32 v13, v5;
	v44 =	vmul.f32 v34, v42  }
0x66: {  	v7 =	vadd.f32 v42, v7;
	v45 =	vmul.f32 v36, v20;
	(xrf2) =	vadd.scan.msk.f32 $0xffff, v8;
	v6 =	vadd.f32 v43, v6  }
0x67: {  	v4 =	vadd.f32 v10, v4;
	v46 =	vmul.f32 v16, v38  }
0x68: {  	v5 =	vadd.f32 v44, v5;
	v47 =	vmul.f32 v36, v45;
	v7 =	vadd.f32 v45, v7;
	(xrf2) =	vadd.scan.msk.f32 $0xffff, v6  }
0x69: {  	v3 =	vadd.f32 v12, v3;
	v48 =	vmul.f32 v46, v16  }
0x6a: {  	v4 =	vadd.f32 v46, v4;
	v49 =	vmul.f32 v15, v20;
	v5 =	vadd.f32 v47, v5;
	(xrf2) =	vadd.scan.msk.f32 $0xffff, v7;
	_ =	sdelay $0x1  }
0x6b: {  	v3 =	vadd.f32 v48, v3;
	v50 =	vmul.f32 v49, v15;
	v4 =	vadd.f32 v49, v4;
	(xrf2) =	vadd.scan.msk.f32 $0xffff, v5;
	_ =	sdelay $0x1  }
0x6c: {  	v3 =	vadd.f32 v50, v3;
	(xrf2) =	vadd.scan.msk.f32 $0xffff, v4;
	_ =	sdelay $0x1  }
0x6d: {  	v51, _, _ =	vpop (xrf2);
	(xrf2) =	vadd.scan.msk.f32 $0xffff, v3  }
0x6e: {  	v3 =	vbroadcast v51, $0xF  }
0x6f: {  	v52, _, _ =	vpop (xrf2)  }
0x70: {  	v3 =	vnsel vm0, $0x0, v3;
	v4 =	vbroadcast v52, $0xF  }
0x71: {  	v3 =	vadd.f32 $0.0e+00, v3;
	v53, _, _ =	vpop (xrf2)  }
0x72: {  	v5 =	vbroadcast v53, $0xF;
	v4 =	vnsel vm1, $0x0, v4  }
0x73: {  	v54, _, _ =	vpop (xrf2);
	v3 =	vadd.f32 v4, v3  }
0x74: {  	v56 =	vbroadcast v54, $0xF;
	v55 =	vnsel vm2, $0x0, v5  }
0x75: {  	v57, _, _ =	vpop (xrf2);
	v3 =	vadd.f32 v55, v3  }
0x76: {  	v59 =	vbroadcast v57, $0xF;
	v58 =	vnsel vm3, $0x0, v56  }
0x77: {  	v60, _, _ =	vpop (xrf2);
	v3 =	vadd.f32 v58, v3  }
0x78: {  	v61 =	vnsel vm4, $0x0, v59;
	v62 =	vbroadcast v60, $0xF  }
0x79: {  	v3 =	vadd.f32 v61, v3  }
0x7a: {  	v63 =	vnsel vm5, $0x0, v62  }
0x7b: {  	s9 =	sadd.s32 $0x1, s9;
	v3 =	vadd.f32 v63, v3  }
0x7c: {  	p0 =	sne.s32 s9, s6  }
.Ltmp1:
0x7d: {  	[tilespmem:$0x2C00] =	vst v3;
	(pc) =	sbr.rel @p0 .LBB2_1-.Ltmp1, $4  }
0x7e: {  	[hbm4b:s5+s2] =	stream.linear.scatter [tilespmem:s8], [sflag:$0x1], $0x80, $0x38;
	[tilespmem:$0x2C80] =	vst v63  }
0x7f: {  	_ =	swait.ge [sflag:s7], $0x80  }
0x80: {  	[sflag:s7] =	ssyncset.done $0x0  }
0x81: {  	[sflag:s7] =	ssyncadd.s32 $0xFFFFFF80  }
0x82: {  	_ =	sfence.sel $0x180000  }
0x83: {  	[bflag:$0x0] =	sbarrier.arrive $0xFFFF  }
0x84: {  	p0 =	sne.s32 s0, $0x0;
	_ =	strace $0x90000047  }
0x85: {  	s0 =	sadd.s32 @!p0 $0x100000, s1;
	[bflag:$0x2] =	sbarrier.arrive $0xFFFF  }
0x86: {  	[sflag:s0] =	ssyncadd.tile.s32 @!p0 $0x1;
	_ =	shalt  }
.Lfunc_end2:
_tile_overlayer_lowered:
.L_overlay_start_2:
0x87: {  	(tag) =	ssettag $0x2  }
0x88: {  	s0 =	rddreg [dreg:$0x0];
	s2 =	stileid.u32  }
0x89: {  	s1 =	rddreg [dreg:$0x1];
	p0 =	sne.s32 s2, $0x0  }
0x8a: {  	s3 =	rddreg [dreg:$0x2];
	[bflag:$0x3] =	sbarrier.arrive $0xFFFF;
	s2 =	simm.s32 @!p0 $0x1C01  }
0x8b: {  	[timem:s3], [sflag:s2] =	dma.local @!p0 [hbm:s0], s1  }
0x8c: {  	s0 =	simm.s32 @!p0 $0x1  }
0x8d: {  	_ =	swait.ge @!p0 [sflag:s0], s1  }
0x8e: {  	s1 =	ssub.s32 @!p0 $0x0, s1;
	[sflag:s0] =	ssyncset.done @!p0 $0x0  }
0x8f: {  	[sflag:s0] =	ssyncadd.s32 @!p0 s1  }
0x90: {  	[bflag:$0x3] =	sbarrier.arrive $0xFFFF  }
0x91: {  	_ =	shalt  }

</sc_bundles>
